<compile_context>
chip_gen: v7x
topology: tpu7x:2x2x1
jax: 0.10.2.dev20260603
libtpu: 0.0.44.dev20260713+nightly
codegen_flags: <defaults>
</compile_context>

<pallas_src>
import functools

import jax
import jax.numpy as jnp
from jax import lax
from jax.experimental import pallas as pl
from jax.experimental.pallas import tpu as pltpu
from jax.experimental.pallas import tpu_sc as plsc

N_NODES = 10000
N_EDGES = 160000
IN_FEATS = 256
HALF = 128
NSUB = 16
EPT = N_EDGES // NSUB
CH = 128
NCH = 80
EPAD = NCH * CH
NPASS = 2
NSEG = 10240
GARB = NSEG
NPAD = NSEG
NPT = NSEG // NSUB


def _sc_body(x2_hbm, col2_hbm, rowp_hbm, za_hbm, ones_hbm, out4_hbm,
             col_v, row_v, rows_v, agg_sh, sem):
    c = lax.axis_index("c")
    s = lax.axis_index("s")
    nbase = s * NPT

    pltpu.sync_copy(col2_hbm.at[c, s], col_v)

    def pass_body(p, carry):
        pltpu.sync_copy(rowp_hbm.at[0, s], row_v)
        pltpu.sync_copy(za_hbm, agg_sh.at[pl.ds(nbase, NPT)])

        @pl.when(p >= 1)
        def _():
            pltpu.sync_copy(ones_hbm, rows_v)

        plsc.subcore_barrier()

        def chunk_body(j, carry2):
            @pl.when(p < 1)
            def _():
                pltpu.async_copy(x2_hbm.at[col_v.at[j]], rows_v, sem).wait()

            pltpu.sync_copy(rows_v, agg_sh.at[row_v.at[j]], add=True)
            return carry2

        lo = jnp.where(p < 1, 0, (NCH // 2) * c)
        hi = jnp.where(p < 1, NCH, (NCH // 2) * (c + 1))
        lax.fori_loop(lo, hi, chunk_body, 0)
        plsc.subcore_barrier()

        slot = jnp.where(p < 1, c, 2 + c)
        obase = nbase
        pltpu.sync_copy(agg_sh.at[pl.ds(nbase, NPT)],
                        out4_hbm.at[slot, pl.ds(obase, NPT)])
        plsc.subcore_barrier()
        return carry

    lax.fori_loop(0, NPASS, pass_body, 0)


@functools.cache
def _make_sc_agg():
  return pl.kernel(
    _sc_body,
    out_type=jax.ShapeDtypeStruct((4, NPAD, HALF), jnp.float32),
    mesh=plsc.VectorSubcoreMesh(core_axis_name="c", subcore_axis_name="s"),
    scratch_types=[
        pltpu.VMEM((NCH, CH), jnp.int32),
        pltpu.VMEM((NCH, CH), jnp.int32),
        pltpu.VMEM((CH, HALF), jnp.float32),
        pltpu.VMEM_SHARED((NSEG + 8, HALF), jnp.float32),
        pltpu.SemaphoreType.DMA,
    ],
  )


BM = 1000


def _tc_body(x_ref, agg_ref, w_ref, b_ref, o_ref):
    deg = agg_ref[2, :, 0:1] + agg_ref[3, :, 0:1]
    inv = 1.0 / jnp.maximum(deg, 1.0)
    h = jnp.concatenate(
        [x_ref[...], agg_ref[0] * inv, agg_ref[1] * inv], axis=1)
    o_ref[...] = lax.dot_general(
        h, w_ref[...], (((1,), (1,)), ((), ())),
        preferred_element_type=jnp.float32) + b_ref[...]


def _tc_matmul(x, out4, W, b):
    return pl.pallas_call(
        _tc_body,
        grid=(N_NODES // BM,),
        in_specs=[
            pl.BlockSpec((BM, IN_FEATS), lambda i: (i, 0)),
            pl.BlockSpec((4, BM, HALF), lambda i: (0, i, 0)),
            pl.BlockSpec((IN_FEATS, 2 * IN_FEATS), lambda i: (0, 0)),
            pl.BlockSpec((1, IN_FEATS), lambda i: (0, 0)),
        ],
        out_specs=pl.BlockSpec((BM, IN_FEATS), lambda i: (i, 0)),
        out_shape=jax.ShapeDtypeStruct((N_NODES, IN_FEATS), jnp.float32),
    )(x, out4, W, b.reshape(1, IN_FEATS))


def kernel(x, edge_index, W, b):
    row = edge_index[0].astype(jnp.int32)
    col = edge_index[1].astype(jnp.int32)
    x2 = x.reshape(2 * N_NODES, HALF)
    pad_c = jnp.zeros((NSUB, EPAD - EPT), jnp.int32)
    pad_r = jnp.full((NSUB, EPAD - EPT), GARB, jnp.int32)
    colt = col.reshape(NSUB, EPT)
    col2 = jnp.stack([
        jnp.concatenate([2 * colt, pad_c], axis=1),
        jnp.concatenate([2 * colt + 1, pad_c], axis=1),
    ]).reshape(2, NSUB, NCH, CH)
    rowt = row.reshape(NSUB, EPT)
    rowp = jnp.concatenate([rowt, pad_r], axis=1).reshape(1, NSUB, NCH, CH)
    za = jnp.zeros((NPT, HALF), jnp.float32)
    ones = jnp.ones((CH, HALF), jnp.float32)
    out4 = _make_sc_agg()(x2, col2, rowp, za, ones)
    return _tc_matmul(x, out4, W, b)

# --- scband reference (transcript-rebuilt; emitter-appended) ---
"""Pipeline reference for scband-sagelayer-4449586119080 (READ-ONLY COPY).

The authoritative reference and input builder live on the scoring server;
editing this copy changes nothing except your own understanding.
"""

import jax, jax.numpy as jnp
import numpy as np

N_NODES = 10000
N_EDGES = 160000
IN_FEATS = 256
OUT_FEATS = 256


def setup_inputs(seed: int = 0) -> dict:
    key = jax.random.key(seed)
    k1, k2, k3, k4 = jax.random.split(key, 4)
    x = jax.random.normal(k1, (N_NODES, IN_FEATS), dtype=jnp.float32)
    edge_index = jax.random.randint(k2, (2, N_EDGES), 0, N_NODES, dtype=jnp.int64)
    # fc: Linear(2*in_feats, out_feats)
    bound = 1.0 / np.sqrt(2 * IN_FEATS)
    W = jax.random.uniform(k3, (OUT_FEATS, 2 * IN_FEATS), dtype=jnp.float32, minval=-bound, maxval=bound)
    b = jax.random.uniform(k4, (OUT_FEATS,), dtype=jnp.float32, minval=-bound, maxval=bound)
    return {"x": x, "edge_index": edge_index, "W": W, "b": b}


def reference(x, edge_index, W, b):
    row = edge_index[0]  # destination nodes (CSR rows)
    col = edge_index[1]  # source nodes (CSR cols)
    # MeanAggregator: graph.row_norm() then spmm -> mean over in-neighbors
    deg = jax.ops.segment_sum(jnp.ones((row.shape[0],), dtype=x.dtype), row, num_segments=N_NODES)
    agg = jax.ops.segment_sum(jnp.take(x, col, axis=0), row, num_segments=N_NODES)
    agg = agg / jnp.maximum(deg, 1.0)[:, None]
    # concat [x, mean_agg] then fc
    out = jnp.concatenate([x, agg], axis=-1)
    out = out @ W.T + b
    # normalize=False, norm=None, activation=None, residual=False, dropout=0
    return out

if __name__ == "__main__":
    import jax
    _d = setup_inputs()
    print(jax.jit(kernel)(*tuple(_d.values())))

</pallas_src>

<mosaic_0001>
#map = affine_map<(d0, d1) -> (0, 0)>
#map1 = affine_map<(d0, d1) -> (0, 0, 0, 0)>
#map2 = affine_map<(d0, d1) -> (0, 0, 0)>
module attributes {stable_mosaic.version = 14 : i64} {
  func.func @_sc_body(%arg0: i32, %arg1: i32, %arg2: memref<20000x128xf32, #tpu.memory_space<hbm>>, %arg3: memref<2x16x80x128xi32, #tpu.memory_space<hbm>>, %arg4: memref<1x16x80x128xi32, #tpu.memory_space<hbm>>, %arg5: memref<640x128xf32, #tpu.memory_space<hbm>>, %arg6: memref<128x128xf32, #tpu.memory_space<hbm>>, %arg7: memref<4x10240x128xf32, #tpu.memory_space<hbm>>, %arg8: memref<80x128xi32, #tpu.memory_space<vmem>>, %arg9: memref<80x128xi32, #tpu.memory_space<vmem>>, %arg10: memref<128x128xf32, #tpu.memory_space<vmem>>, %arg11: memref<10248x128xf32, #tpu.memory_space<vmem_shared>>, %arg12: memref<!tpu.dma_semaphore, #tpu.memory_space<semaphore_mem>>) attributes {dimension_semantics = [#tpu.dimension_semantics<core_parallel>, #tpu.dimension_semantics<subcore_parallel>], iteration_bounds = array<i64: 2, 16>, scalar_prefetch = 0 : i64, scratch_operands = 5 : i64, tpu.core_type = #tpu.core_type<sc_vector_subcore>, window_params = [{transform_indices = #map}, {transform_indices = #map1}, {transform_indices = #map1}, {transform_indices = #map}, {transform_indices = #map}, {transform_indices = #map2}]} {
    %mul3A = arith.constant 640 : i32
    %mul3A_0 = arith.muli %arg1, %mul3A : i32
    "tpu.region"() ({
      %run_scoped3A = tpu.sem_alloc : memref<!tpu.dma_semaphore, #tpu.memory_space<semaphore_mem>>
      %dma_start3A = arith.constant 0 : i32
      %dma_start3A_6 = arith.constant 0 : i32
      %dma_start3A_7 = tpu.memref_slice %arg3[%arg0, %arg1, %dma_start3A, %dma_start3A_6] : memref<2x16x80x128xi32, #tpu.memory_space<hbm>> -> memref<1x1x80x128xi32, #tpu.memory_space<hbm>>
      %dma_start3A_8 = tpu.memref_squeeze %dma_start3A_7 : memref<1x1x80x128xi32, #tpu.memory_space<hbm>> -> memref<80x128xi32, #tpu.memory_space<hbm>>
      %dma_start3A_9 = arith.constant 0 : i32
      %dma_start3A_10 = arith.constant 0 : i32
      %dma_start3A_11 = tpu.memref_slice %arg3[%arg0, %arg1, %dma_start3A_9, %dma_start3A_10] : memref<2x16x80x128xi32, #tpu.memory_space<hbm>> -> memref<1x1x80x128xi32, #tpu.memory_space<hbm>>
      %dma_start3A_12 = tpu.memref_squeeze %dma_start3A_11 : memref<1x1x80x128xi32, #tpu.memory_space<hbm>> -> memref<80x128xi32, #tpu.memory_space<hbm>>
      tpu.enqueue_dma source(%dma_start3A_12 : memref<80x128xi32, #tpu.memory_space<hbm>>) target(%arg8 : memref<80x128xi32, #tpu.memory_space<vmem>>) target_semaphore(%run_scoped3A : memref<!tpu.dma_semaphore, #tpu.memory_space<semaphore_mem>>)
      %dma_wait3A = arith.constant 0 : i32
      %dma_wait3A_13 = arith.constant 0 : i32
      %dma_wait3A_14 = tpu.memref_slice %arg3[%arg0, %arg1, %dma_wait3A, %dma_wait3A_13] : memref<2x16x80x128xi32, #tpu.memory_space<hbm>> -> memref<1x1x80x128xi32, #tpu.memory_space<hbm>>
      %dma_wait3A_15 = tpu.memref_squeeze %dma_wait3A_14 : memref<1x1x80x128xi32, #tpu.memory_space<hbm>> -> memref<80x128xi32, #tpu.memory_space<hbm>>
      %dma_wait3A_16 = arith.constant 0 : i32
      %dma_wait3A_17 = arith.constant 0 : i32
      %dma_wait3A_18 = tpu.memref_slice %arg3[%arg0, %arg1, %dma_wait3A_16, %dma_wait3A_17] : memref<2x16x80x128xi32, #tpu.memory_space<hbm>> -> memref<1x1x80x128xi32, #tpu.memory_space<hbm>>
      %dma_wait3A_19 = tpu.memref_squeeze %dma_wait3A_18 : memref<1x1x80x128xi32, #tpu.memory_space<hbm>> -> memref<80x128xi32, #tpu.memory_space<hbm>>
      tpu.wait_dma2 semaphore(%run_scoped3A : memref<!tpu.dma_semaphore, #tpu.memory_space<semaphore_mem>>) src(%dma_wait3A_19 : memref<80x128xi32, #tpu.memory_space<hbm>>) dst(%arg8 : memref<80x128xi32, #tpu.memory_space<vmem>>)
      tpu.yield
    }) : () -> ()
    %scan3A = arith.constant 0 : i32
    %scan3A_1 = arith.constant 0 : i32
    %scan3A_2 = arith.constant 2 : i32
    %scan3A_3 = arith.addi %scan3A_1, %scan3A_2 : i32
    %scan3A_4 = arith.constant 1 : i32
    scf.for %scan3A_6 = %scan3A_1 to %scan3A_3 step %scan3A_4  : i32 {
      %run_scoped3A = arith.constant 0 : i32
      "tpu.region"() ({
        %run_scoped3A_34 = tpu.sem_alloc : memref<!tpu.dma_semaphore, #tpu.memory_space<semaphore_mem>>
        %dma_start3A = arith.constant 0 : i32
        %dma_start3A_35 = arith.constant 0 : i32
        %dma_start3A_36 = tpu.memref_slice %arg4[%run_scoped3A, %arg1, %dma_start3A, %dma_start3A_35] : memref<1x16x80x128xi32, #tpu.memory_space<hbm>> -> memref<1x1x80x128xi32, #tpu.memory_space<hbm>>
        %dma_start3A_37 = tpu.memref_squeeze %dma_start3A_36 : memref<1x1x80x128xi32, #tpu.memory_space<hbm>> -> memref<80x128xi32, #tpu.memory_space<hbm>>
        %dma_start3A_38 = arith.constant 0 : i32
        %dma_start3A_39 = arith.constant 0 : i32
        %dma_start3A_40 = tpu.memref_slice %arg4[%run_scoped3A, %arg1, %dma_start3A_38, %dma_start3A_39] : memref<1x16x80x128xi32, #tpu.memory_space<hbm>> -> memref<1x1x80x128xi32, #tpu.memory_space<hbm>>
        %dma_start3A_41 = tpu.memref_squeeze %dma_start3A_40 : memref<1x1x80x128xi32, #tpu.memory_space<hbm>> -> memref<80x128xi32, #tpu.memory_space<hbm>>
        tpu.enqueue_dma source(%dma_start3A_41 : memref<80x128xi32, #tpu.memory_space<hbm>>) target(%arg9 : memref<80x128xi32, #tpu.memory_space<vmem>>) target_semaphore(%run_scoped3A_34 : memref<!tpu.dma_semaphore, #tpu.memory_space<semaphore_mem>>)
        %dma_wait3A = arith.constant 0 : i32
        %dma_wait3A_42 = arith.constant 0 : i32
        %dma_wait3A_43 = tpu.memref_slice %arg4[%run_scoped3A, %arg1, %dma_wait3A, %dma_wait3A_42] : memref<1x16x80x128xi32, #tpu.memory_space<hbm>> -> memref<1x1x80x128xi32, #tpu.memory_space<hbm>>
        %dma_wait3A_44 = tpu.memref_squeeze %dma_wait3A_43 : memref<1x1x80x128xi32, #tpu.memory_space<hbm>> -> memref<80x128xi32, #tpu.memory_space<hbm>>
        %dma_wait3A_45 = arith.constant 0 : i32
        %dma_wait3A_46 = arith.constant 0 : i32
        %dma_wait3A_47 = tpu.memref_slice %arg4[%run_scoped3A, %arg1, %dma_wait3A_45, %dma_wait3A_46] : memref<1x16x80x128xi32, #tpu.memory_space<hbm>> -> memref<1x1x80x128xi32, #tpu.memory_space<hbm>>
        %dma_wait3A_48 = tpu.memref_squeeze %dma_wait3A_47 : memref<1x1x80x128xi32, #tpu.memory_space<hbm>> -> memref<80x128xi32, #tpu.memory_space<hbm>>
        tpu.wait_dma2 semaphore(%run_scoped3A_34 : memref<!tpu.dma_semaphore, #tpu.memory_space<semaphore_mem>>) src(%dma_wait3A_48 : memref<80x128xi32, #tpu.memory_space<hbm>>) dst(%arg9 : memref<80x128xi32, #tpu.memory_space<vmem>>)
        tpu.yield
      }) : () -> ()
      "tpu.region"() ({
        %run_scoped3A_34 = tpu.sem_alloc : memref<!tpu.dma_semaphore, #tpu.memory_space<semaphore_mem>>
        %dma_start3A = arith.constant 0 : i32
        %dma_start3A_35 = tpu.memref_slice %arg11[%mul3A_0, %dma_start3A] : memref<10248x128xf32, #tpu.memory_space<vmem_shared>> -> memref<640x128xf32, #tpu.memory_space<vmem_shared>>
        tpu.enqueue_dma source(%arg5 : memref<640x128xf32, #tpu.memory_space<hbm>>) target(%dma_start3A_35 : memref<640x128xf32, #tpu.memory_space<vmem_shared>>) target_semaphore(%run_scoped3A_34 : memref<!tpu.dma_semaphore, #tpu.memory_space<semaphore_mem>>)
        %dma_wait3A = arith.constant 0 : i32
        %dma_wait3A_36 = tpu.memref_slice %arg11[%mul3A_0, %dma_wait3A] : memref<10248x128xf32, #tpu.memory_space<vmem_shared>> -> memref<640x128xf32, #tpu.memory_space<vmem_shared>>
        tpu.wait_dma2 semaphore(%run_scoped3A_34 : memref<!tpu.dma_semaphore, #tpu.memory_space<semaphore_mem>>) src(%arg5 : memref<640x128xf32, #tpu.memory_space<hbm>>) dst(%dma_wait3A_36 : memref<640x128xf32, #tpu.memory_space<vmem_shared>>)
        tpu.yield
      }) : () -> ()
      %ge3A = arith.constant 1 : i32
      %ge3A_7 = arith.cmpi sge, %scan3A_6, %ge3A : i32
      %convert_element_type3A = arith.extui %ge3A_7 : i1 to i32
      %cond3A = arith.constant 0 : i32
      %cond3A_8 = arith.cmpi ne, %convert_element_type3A, %cond3A : i32
      scf.if %cond3A_8 {
        "tpu.region"() ({
          %run_scoped3A_34 = tpu.sem_alloc : memref<!tpu.dma_semaphore, #tpu.memory_space<semaphore_mem>>
          tpu.enqueue_dma source(%arg6 : memref<128x128xf32, #tpu.memory_space<hbm>>) target(%arg10 : memref<128x128xf32, #tpu.memory_space<vmem>>) target_semaphore(%run_scoped3A_34 : memref<!tpu.dma_semaphore, #tpu.memory_space<semaphore_mem>>)
          tpu.wait_dma2 semaphore(%run_scoped3A_34 : memref<!tpu.dma_semaphore, #tpu.memory_space<semaphore_mem>>) src(%arg6 : memref<128x128xf32, #tpu.memory_space<hbm>>) dst(%arg10 : memref<128x128xf32, #tpu.memory_space<vmem>>)
          tpu.yield
        }) : () -> ()
      } else {
      }
      %barrier3A = arith.constant 0 : index
      tpu.barrier barrier_id(%barrier3A)
      %lt3A = arith.constant 1 : i32
      %lt3A_9 = arith.cmpi slt, %scan3A_6, %lt3A : i32
      %mul3A_10 = arith.constant 40 : i32
      %mul3A_11 = arith.muli %mul3A_10, %arg0 : i32
      %jit3A = arith.constant 0 : i32
      %select_n3A = arith.select %lt3A_9, %jit3A, %mul3A_11 : i32
      %lt3A_12 = arith.constant 1 : i32
      %lt3A_13 = arith.cmpi slt, %scan3A_6, %lt3A_12 : i32
      %add3A = arith.constant 1 : i32
      %add3A_14 = arith.addi %arg0, %add3A : i32
      %mul3A_15 = arith.constant 40 : i32
      %mul3A_16 = arith.muli %mul3A_15, %add3A_14 : i32
      %jit3A_17 = arith.constant 80 : i32
      %select_n3A_18 = arith.select %lt3A_13, %jit3A_17, %mul3A_16 : i32
      %while3A = arith.constant 0 : i32
      %while3A_19 = arith.subi %select_n3A_18, %select_n3A : i32
      %while3A_20 = arith.addi %select_n3A, %while3A_19 : i32
      %while3A_21 = arith.constant 1 : i32
      %while3A_22 = arith.divsi %while3A_19, %while3A_21 : i32
      %while3A_23 = arith.muli %while3A_22, %while3A_21 : i32
      %while3A_24 = arith.addi %select_n3A, %while3A_23 : i32
      %while3A_25 = arith.constant 1 : i32
      scf.for %while3A_34 = %select_n3A to %while3A_24 step %while3A_25  : i32 {
        %lt3A_35 = arith.constant 1 : i32
        %lt3A_36 = arith.cmpi slt, %scan3A_6, %lt3A_35 : i32
        %convert_element_type3A_37 = arith.extui %lt3A_36 : i1 to i32
        %cond3A_38 = arith.constant 0 : i32
        %cond3A_39 = arith.cmpi ne, %convert_element_type3A_37, %cond3A_38 : i32
        scf.if %cond3A_39 {
          %dma_start3A = arith.constant 0 : i32
          %dma_start3A_40 = tpu.memref_slice %arg8[%while3A_34, %dma_start3A] : memref<80x128xi32, #tpu.memory_space<vmem>> -> memref<1x128xi32, #tpu.memory_space<vmem>>
          %dma_start3A_41 = tpu.memref_squeeze %dma_start3A_40 : memref<1x128xi32, #tpu.memory_space<vmem>> -> memref<128xi32, #tpu.memory_space<vmem>>
          %dma_start3A_42 = arith.constant 0 : i32
          %dma_start3A_43 = arith.constant 0 : i32
          %dma_start3A_44 = tpu.memref_slice %arg2[%dma_start3A_42, %dma_start3A_43] : memref<20000x128xf32, #tpu.memory_space<hbm>> -> memref<20000x128xf32, #tpu.memory_space<hbm>>
          tpu.enqueue_indirect_dma source(%dma_start3A_44 : memref<20000x128xf32, #tpu.memory_space<hbm>>) target(%arg10 : memref<128x128xf32, #tpu.memory_space<vmem>>) offsets(%dma_start3A_41 : memref<128xi32, #tpu.memory_space<vmem>>) semaphore(%arg12 : memref<!tpu.dma_semaphore, #tpu.memory_space<semaphore_mem>>)
          %dma_wait3A = arith.constant 0 : i32
          %dma_wait3A_45 = tpu.memref_slice %arg8[%while3A_34, %dma_wait3A] : memref<80x128xi32, #tpu.memory_space<vmem>> -> memref<1x128xi32, #tpu.memory_space<vmem>>
          %dma_wait3A_46 = tpu.memref_squeeze %dma_wait3A_45 : memref<1x128xi32, #tpu.memory_space<vmem>> -> memref<128xi32, #tpu.memory_space<vmem>>
          %dma_wait3A_47 = arith.constant 0 : i32
          %dma_wait3A_48 = arith.constant 0 : i32
          %dma_wait3A_49 = tpu.memref_slice %arg2[%dma_wait3A_47, %dma_wait3A_48] : memref<20000x128xf32, #tpu.memory_space<hbm>> -> memref<20000x128xf32, #tpu.memory_space<hbm>>
          tpu.wait_indirect_dma semaphore(%arg12 : memref<!tpu.dma_semaphore, #tpu.memory_space<semaphore_mem>>) src(%dma_wait3A_49 : memref<20000x128xf32, #tpu.memory_space<hbm>>) dst(%arg10 : memref<128x128xf32, #tpu.memory_space<vmem>>)
        } else {
        }
        "tpu.region"() ({
          %run_scoped3A_40 = tpu.sem_alloc : memref<!tpu.dma_semaphore, #tpu.memory_space<semaphore_mem>>
          %dma_start3A = arith.constant 0 : i32
          %dma_start3A_41 = tpu.memref_slice %arg9[%while3A_34, %dma_start3A] : memref<80x128xi32, #tpu.memory_space<vmem>> -> memref<1x128xi32, #tpu.memory_space<vmem>>
          %dma_start3A_42 = tpu.memref_squeeze %dma_start3A_41 : memref<1x128xi32, #tpu.memory_space<vmem>> -> memref<128xi32, #tpu.memory_space<vmem>>
          %dma_start3A_43 = arith.constant 0 : i32
          %dma_start3A_44 = arith.constant 0 : i32
          %dma_start3A_45 = tpu.memref_slice %arg11[%dma_start3A_43, %dma_start3A_44] : memref<10248x128xf32, #tpu.memory_space<vmem_shared>> -> memref<10248x128xf32, #tpu.memory_space<vmem_shared>>
          tpu.enqueue_indirect_dma source(%arg10 : memref<128x128xf32, #tpu.memory_space<vmem>>) target(%dma_start3A_45 : memref<10248x128xf32, #tpu.memory_space<vmem_shared>>) offsets(%dma_start3A_42 : memref<128xi32, #tpu.memory_space<vmem>>) semaphore(%run_scoped3A_40 : memref<!tpu.dma_semaphore, #tpu.memory_space<semaphore_mem>>) {add = true}
          %dma_wait3A = arith.constant 0 : i32
          %dma_wait3A_46 = tpu.memref_slice %arg9[%while3A_34, %dma_wait3A] : memref<80x128xi32, #tpu.memory_space<vmem>> -> memref<1x128xi32, #tpu.memory_space<vmem>>
          %dma_wait3A_47 = tpu.memref_squeeze %dma_wait3A_46 : memref<1x128xi32, #tpu.memory_space<vmem>> -> memref<128xi32, #tpu.memory_space<vmem>>
          %dma_wait3A_48 = arith.constant 0 : i32
          %dma_wait3A_49 = arith.constant 0 : i32
          %dma_wait3A_50 = tpu.memref_slice %arg11[%dma_wait3A_48, %dma_wait3A_49] : memref<10248x128xf32, #tpu.memory_space<vmem_shared>> -> memref<10248x128xf32, #tpu.memory_space<vmem_shared>>
          tpu.wait_indirect_dma semaphore(%run_scoped3A_40 : memref<!tpu.dma_semaphore, #tpu.memory_space<semaphore_mem>>) src(%arg10 : memref<128x128xf32, #tpu.memory_space<vmem>>) dst(%dma_wait3A_50 : memref<10248x128xf32, #tpu.memory_space<vmem_shared>>)
          tpu.yield
        }) : () -> ()
      }
      %while3A_26 = arith.constant 1 : i32
      scf.for %while3A_34 = %while3A_24 to %while3A_20 step %while3A_26  : i32 {
        %lt3A_35 = arith.constant 1 : i32
        %lt3A_36 = arith.cmpi slt, %scan3A_6, %lt3A_35 : i32
        %convert_element_type3A_37 = arith.extui %lt3A_36 : i1 to i32
        %cond3A_38 = arith.constant 0 : i32
        %cond3A_39 = arith.cmpi ne, %convert_element_type3A_37, %cond3A_38 : i32
        scf.if %cond3A_39 {
          %dma_start3A = arith.constant 0 : i32
          %dma_start3A_40 = tpu.memref_slice %arg8[%while3A_34, %dma_start3A] : memref<80x128xi32, #tpu.memory_space<vmem>> -> memref<1x128xi32, #tpu.memory_space<vmem>>
          %dma_start3A_41 = tpu.memref_squeeze %dma_start3A_40 : memref<1x128xi32, #tpu.memory_space<vmem>> -> memref<128xi32, #tpu.memory_space<vmem>>
          %dma_start3A_42 = arith.constant 0 : i32
          %dma_start3A_43 = arith.constant 0 : i32
          %dma_start3A_44 = tpu.memref_slice %arg2[%dma_start3A_42, %dma_start3A_43] : memref<20000x128xf32, #tpu.memory_space<hbm>> -> memref<20000x128xf32, #tpu.memory_space<hbm>>
          tpu.enqueue_indirect_dma source(%dma_start3A_44 : memref<20000x128xf32, #tpu.memory_space<hbm>>) target(%arg10 : memref<128x128xf32, #tpu.memory_space<vmem>>) offsets(%dma_start3A_41 : memref<128xi32, #tpu.memory_space<vmem>>) semaphore(%arg12 : memref<!tpu.dma_semaphore, #tpu.memory_space<semaphore_mem>>)
          %dma_wait3A = arith.constant 0 : i32
          %dma_wait3A_45 = tpu.memref_slice %arg8[%while3A_34, %dma_wait3A] : memref<80x128xi32, #tpu.memory_space<vmem>> -> memref<1x128xi32, #tpu.memory_space<vmem>>
          %dma_wait3A_46 = tpu.memref_squeeze %dma_wait3A_45 : memref<1x128xi32, #tpu.memory_space<vmem>> -> memref<128xi32, #tpu.memory_space<vmem>>
          %dma_wait3A_47 = arith.constant 0 : i32
          %dma_wait3A_48 = arith.constant 0 : i32
          %dma_wait3A_49 = tpu.memref_slice %arg2[%dma_wait3A_47, %dma_wait3A_48] : memref<20000x128xf32, #tpu.memory_space<hbm>> -> memref<20000x128xf32, #tpu.memory_space<hbm>>
          tpu.wait_indirect_dma semaphore(%arg12 : memref<!tpu.dma_semaphore, #tpu.memory_space<semaphore_mem>>) src(%dma_wait3A_49 : memref<20000x128xf32, #tpu.memory_space<hbm>>) dst(%arg10 : memref<128x128xf32, #tpu.memory_space<vmem>>)
        } else {
        }
        "tpu.region"() ({
          %run_scoped3A_40 = tpu.sem_alloc : memref<!tpu.dma_semaphore, #tpu.memory_space<semaphore_mem>>
          %dma_start3A = arith.constant 0 : i32
          %dma_start3A_41 = tpu.memref_slice %arg9[%while3A_34, %dma_start3A] : memref<80x128xi32, #tpu.memory_space<vmem>> -> memref<1x128xi32, #tpu.memory_space<vmem>>
          %dma_start3A_42 = tpu.memref_squeeze %dma_start3A_41 : memref<1x128xi32, #tpu.memory_space<vmem>> -> memref<128xi32, #tpu.memory_space<vmem>>
          %dma_start3A_43 = arith.constant 0 : i32
          %dma_start3A_44 = arith.constant 0 : i32
          %dma_start3A_45 = tpu.memref_slice %arg11[%dma_start3A_43, %dma_start3A_44] : memref<10248x128xf32, #tpu.memory_space<vmem_shared>> -> memref<10248x128xf32, #tpu.memory_space<vmem_shared>>
          tpu.enqueue_indirect_dma source(%arg10 : memref<128x128xf32, #tpu.memory_space<vmem>>) target(%dma_start3A_45 : memref<10248x128xf32, #tpu.memory_space<vmem_shared>>) offsets(%dma_start3A_42 : memref<128xi32, #tpu.memory_space<vmem>>) semaphore(%run_scoped3A_40 : memref<!tpu.dma_semaphore, #tpu.memory_space<semaphore_mem>>) {add = true}
          %dma_wait3A = arith.constant 0 : i32
          %dma_wait3A_46 = tpu.memref_slice %arg9[%while3A_34, %dma_wait3A] : memref<80x128xi32, #tpu.memory_space<vmem>> -> memref<1x128xi32, #tpu.memory_space<vmem>>
          %dma_wait3A_47 = tpu.memref_squeeze %dma_wait3A_46 : memref<1x128xi32, #tpu.memory_space<vmem>> -> memref<128xi32, #tpu.memory_space<vmem>>
          %dma_wait3A_48 = arith.constant 0 : i32
          %dma_wait3A_49 = arith.constant 0 : i32
          %dma_wait3A_50 = tpu.memref_slice %arg11[%dma_wait3A_48, %dma_wait3A_49] : memref<10248x128xf32, #tpu.memory_space<vmem_shared>> -> memref<10248x128xf32, #tpu.memory_space<vmem_shared>>
          tpu.wait_indirect_dma semaphore(%run_scoped3A_40 : memref<!tpu.dma_semaphore, #tpu.memory_space<semaphore_mem>>) src(%arg10 : memref<128x128xf32, #tpu.memory_space<vmem>>) dst(%dma_wait3A_50 : memref<10248x128xf32, #tpu.memory_space<vmem_shared>>)
          tpu.yield
        }) : () -> ()
      }
      %barrier3A_27 = arith.constant 0 : index
      tpu.barrier barrier_id(%barrier3A_27)
      %lt3A_28 = arith.constant 1 : i32
      %lt3A_29 = arith.cmpi slt, %scan3A_6, %lt3A_28 : i32
      %add3A_30 = arith.constant 2 : i32
      %add3A_31 = arith.addi %add3A_30, %arg0 : i32
      %select_n3A_32 = arith.select %lt3A_29, %arg0, %add3A_31 : i32
      "tpu.region"() ({
        %run_scoped3A_34 = tpu.sem_alloc : memref<!tpu.dma_semaphore, #tpu.memory_space<semaphore_mem>>
        %dma_start3A = arith.constant 0 : i32
        %dma_start3A_35 = tpu.memref_slice %arg7[%select_n3A_32, %mul3A_0, %dma_start3A] : memref<4x10240x128xf32, #tpu.memory_space<hbm>> -> memref<1x640x128xf32, #tpu.memory_space<hbm>>
        %dma_start3A_36 = tpu.memref_squeeze %dma_start3A_35 : memref<1x640x128xf32, #tpu.memory_space<hbm>> -> memref<640x128xf32, #tpu.memory_space<hbm>>
        %dma_start3A_37 = arith.constant 0 : i32
        %dma_start3A_38 = tpu.memref_slice %arg11[%mul3A_0, %dma_start3A_37] : memref<10248x128xf32, #tpu.memory_space<vmem_shared>> -> memref<640x128xf32, #tpu.memory_space<vmem_shared>>
        tpu.enqueue_dma source(%dma_start3A_38 : memref<640x128xf32, #tpu.memory_space<vmem_shared>>) target(%dma_start3A_36 : memref<640x128xf32, #tpu.memory_space<hbm>>) target_semaphore(%run_scoped3A_34 : memref<!tpu.dma_semaphore, #tpu.memory_space<semaphore_mem>>)
        %dma_wait3A = arith.constant 0 : i32
        %dma_wait3A_39 = tpu.memref_slice %arg7[%select_n3A_32, %mul3A_0, %dma_wait3A] : memref<4x10240x128xf32, #tpu.memory_space<hbm>> -> memref<1x640x128xf32, #tpu.memory_space<hbm>>
        %dma_wait3A_40 = tpu.memref_squeeze %dma_wait3A_39 : memref<1x640x128xf32, #tpu.memory_space<hbm>> -> memref<640x128xf32, #tpu.memory_space<hbm>>
        %dma_wait3A_41 = arith.constant 0 : i32
        %dma_wait3A_42 = tpu.memref_slice %arg11[%mul3A_0, %dma_wait3A_41] : memref<10248x128xf32, #tpu.memory_space<vmem_shared>> -> memref<640x128xf32, #tpu.memory_space<vmem_shared>>
        tpu.wait_dma2 semaphore(%run_scoped3A_34 : memref<!tpu.dma_semaphore, #tpu.memory_space<semaphore_mem>>) src(%dma_wait3A_42 : memref<640x128xf32, #tpu.memory_space<vmem_shared>>) dst(%dma_wait3A_40 : memref<640x128xf32, #tpu.memory_space<hbm>>)
        tpu.yield
      }) : () -> ()
      %barrier3A_33 = arith.constant 0 : index
      tpu.barrier barrier_id(%barrier3A_33)
    }
    %scan3A_5 = arith.constant 2 : i32
    return
  }
}

module attributes {stable_mosaic.version = 14 : i64} {
  func.func @_tc_body(%arg0: i32, %arg1: memref<1000x256xf32, #tpu.memory_space<vmem>>, %arg2: memref<4x1000x128xf32, #tpu.memory_space<vmem>>, %arg3: memref<256x512xf32, #tpu.memory_space<vmem>>, %arg4: memref<1x256xf32, #tpu.memory_space<vmem>>, %arg5: memref<1000x256xf32, #tpu.memory_space<vmem>>) attributes {dimension_semantics = [#tpu.dimension_semantics<arbitrary>], iteration_bounds = array<i64: 10>, scalar_prefetch = 0 : i64, scratch_operands = 0 : i64, tpu.core_type = #tpu.core_type<tc>, window_params = [{transform_indices = @transform_0, window_bounds = array<i64: 1000, 256>}, {transform_indices = @transform_1, window_bounds = array<i64: 4, 1000, 128>}, {pipeline_mode = #tpu.pipeline_mode<synchronous>, transform_indices = @transform_2, window_bounds = array<i64: 256, 512>}, {pipeline_mode = #tpu.pipeline_mode<synchronous>, transform_indices = @transform_3, window_bounds = array<i64: 1, 256>}, {transform_indices = @transform_4, window_bounds = array<i64: 1000, 256>}]} {
    %get3A = arith.constant 2 : index
    %get3A_0 = arith.constant 0 : index
    %get3A_1 = arith.constant 0 : index
    %get3A_2 = vector.load %arg2[%get3A, %get3A_0, %get3A_1] : memref<4x1000x128xf32, #tpu.memory_space<vmem>>, vector<1x1000x1xf32>
    %get3A_3 = vector.shape_cast %get3A_2 : vector<1x1000x1xf32> to vector<1000x1xf32>
    %get3A_4 = arith.constant 3 : index
    %get3A_5 = arith.constant 0 : index
    %get3A_6 = arith.constant 0 : index
    %get3A_7 = vector.load %arg2[%get3A_4, %get3A_5, %get3A_6] : memref<4x1000x128xf32, #tpu.memory_space<vmem>>, vector<1x1000x1xf32>
    %get3A_8 = vector.shape_cast %get3A_7 : vector<1x1000x1xf32> to vector<1000x1xf32>
    %add3A = arith.addf %get3A_3, %get3A_8 : vector<1000x1xf32>
    %max3A = arith.constant 1.000000e+00 : f32
    %max3A_9 = vector.broadcast %max3A : f32 to vector<1000x1xf32>
    %max3A_10 = arith.maximumf %add3A, %max3A_9 : vector<1000x1xf32>
    %div3A = arith.constant 1.000000e+00 : f32
    %div3A_11 = vector.broadcast %div3A : f32 to vector<1000x1xf32>
    %div3A_12 = arith.divf %div3A_11, %max3A_10 : vector<1000x1xf32>
    %get3A_13 = arith.constant 0 : index
    %get3A_14 = arith.constant 0 : index
    %get3A_15 = vector.load %arg1[%get3A_13, %get3A_14] : memref<1000x256xf32, #tpu.memory_space<vmem>>, vector<1000x256xf32>
    %get3A_16 = arith.constant 0 : index
    %get3A_17 = arith.constant 0 : index
    %get3A_18 = arith.constant 0 : index
    %get3A_19 = vector.load %arg2[%get3A_16, %get3A_17, %get3A_18] : memref<4x1000x128xf32, #tpu.memory_space<vmem>>, vector<1x1000x128xf32>
    %get3A_20 = vector.shape_cast %get3A_19 : vector<1x1000x128xf32> to vector<1000x128xf32>
    %mul3A = vector.broadcast %div3A_12 : vector<1000x1xf32> to vector<1000x128xf32>
    %mul3A_21 = arith.mulf %get3A_20, %mul3A : vector<1000x128xf32>
    %get3A_22 = arith.constant 1 : index
    %get3A_23 = arith.constant 0 : index
    %get3A_24 = arith.constant 0 : index
    %get3A_25 = vector.load %arg2[%get3A_22, %get3A_23, %get3A_24] : memref<4x1000x128xf32, #tpu.memory_space<vmem>>, vector<1x1000x128xf32>
    %get3A_26 = vector.shape_cast %get3A_25 : vector<1x1000x128xf32> to vector<1000x128xf32>
    %mul3A_27 = vector.broadcast %div3A_12 : vector<1000x1xf32> to vector<1000x128xf32>
    %mul3A_28 = arith.mulf %get3A_26, %mul3A_27 : vector<1000x128xf32>
    %concatenate3A = tpu.concatenate %get3A_15, %mul3A_21, %mul3A_28 in 1 : vector<1000x256xf32>, vector<1000x128xf32>, vector<1000x128xf32> -> vector<1000x512xf32>
    %get3A_29 = arith.constant 0 : index
    %get3A_30 = arith.constant 0 : index
    %get3A_31 = vector.load %arg3[%get3A_29, %get3A_30] : memref<256x512xf32, #tpu.memory_space<vmem>>, vector<256x512xf32>
    %dot_general3A = arith.constant dense<0.000000e+00> : vector<1000x256xf32>
    %dot_general3A_32 = tpu.matmul %concatenate3A, %get3A_31, %dot_general3A {dimension_numbers = #tpu.dot_dimension_numbers<[1], [1], [0], [0], [0, 0, 1, 0], [], []>, transpose_lhs_hint = false} : vector<1000x512xf32>, vector<256x512xf32>, vector<1000x256xf32> -> vector<1000x256xf32>
    %get3A_33 = arith.constant 0 : index
    %get3A_34 = arith.constant 0 : index
    %get3A_35 = vector.load %arg4[%get3A_33, %get3A_34] : memref<1x256xf32, #tpu.memory_space<vmem>>, vector<1x256xf32>
    %add3A_36 = vector.broadcast %get3A_35 : vector<1x256xf32> to vector<1000x256xf32>
    %add3A_37 = arith.addf %dot_general3A_32, %add3A_36 : vector<1000x256xf32>
    %swap3A = arith.constant 0 : index
    %swap3A_38 = arith.constant 0 : index
    %swap3A_39 = vector.load %arg5[%swap3A, %swap3A_38] : memref<1000x256xf32, #tpu.memory_space<vmem>>, vector<1000x256xf32>
    tpu.vector_store %arg5[%swap3A, %swap3A_38], %add3A_37 {strides = array<i32>} : memref<1000x256xf32, #tpu.memory_space<vmem>>, vector<1000x256xf32>,
    return
  }
  func.func @transform_0(%arg0: i32) -> (i32, i32) {
    %c0_i32 = arith.constant 0 : i32
    %c0_i32_0 = arith.constant 0 : i32
    return %arg0, %c0_i32 : i32, i32
  }
  func.func @transform_1(%arg0: i32) -> (i32, i32, i32) {
    %c0_i32 = arith.constant 0 : i32
    %c0_i32_0 = arith.constant 0 : i32
    %c0_i32_1 = arith.constant 0 : i32
    return %c0_i32, %arg0, %c0_i32_0 : i32, i32, i32
  }
  func.func @transform_2(%arg0: i32) -> (i32, i32) {
    %c0_i32 = arith.constant 0 : i32
    %c0_i32_0 = arith.constant 0 : i32
    %c0_i32_1 = arith.constant 0 : i32
    return %c0_i32, %c0_i32_0 : i32, i32
  }
  func.func @transform_3(%arg0: i32) -> (i32, i32) {
    %c0_i32 = arith.constant 0 : i32
    %c0_i32_0 = arith.constant 0 : i32
    %c0_i32_1 = arith.constant 0 : i32
    return %c0_i32, %c0_i32_0 : i32, i32
  }
  func.func @transform_4(%arg0: i32) -> (i32, i32) {
    %c0_i32 = arith.constant 0 : i32
    %c0_i32_0 = arith.constant 0 : i32
    return %arg0, %c0_i32 : i32, i32
  }
}

</mosaic_0001>

<sc_bundles>
// kernel: kernel.4.cloned.1.call-start
scs
__scs_entry_jumppad:
0x0: {  	(pc) =	sbr.rel $0x88, $3  }
0x1: {  	(tag) =	ssettag $0x0;
	lr =	simm.s32 $0x1  }
0x2: {  	[smem:$0x3F9D] =	sst lr;
	_ =	strace $0xD0000000  }
0x3: {  	_ = 	snop  }
0x4: {  	_ = 	snop  }
0x5: {  	_ = 	snop  }
0x6: {  	_ = 	snop  }
0x7: {  	_ = 	snop  }
__scs_overlays_trampoline_lowered:
0x8: {  	[smem:$0x3FAC] =	sst s0  }
0x9: {  	[smem:$0x3FAD] =	sst s1  }
0xa: {  	[smem:$0x3FAE] =	sst s2  }
0xb: {  	[smem:$0x3FAF] =	sst s3  }
0xc: {  	[smem:$0x3FB0] =	sst s4  }
0xd: {  	[smem:$0x3FB1] =	sst s5  }
0xe: {  	[smem:$0x3FB2] =	sst s6  }
0xf: {  	[smem:$0x3FB3] =	sst s7  }
0x10: {  	[smem:$0x3FB4] =	sst s8  }
0x11: {  	[smem:$0x3FB5] =	sst s9;
	s0 =	simm.s32 @!p0 $0x0  }
0x12: {  	s1 =	sld [smem:$0x3F9B];
	s0 =	simm.s32 @p0 $0x1  }
0x13: {  	[smem:$0x3FB6] =	sst s0;
	s0 =	simm.s32 @!p1 $0x0  }
0x14: {  	s2 =	sld [smem:$0x3F9A];
	s0 =	simm.s32 @p1 $0x1  }
0x15: {  	[smem:$0x3FB7] =	sst s0;
	s0 =	simm.s32 @!p2 $0x0  }
0x16: {  	s3 =	sld [smem:$0x3FDB];
	s0 =	simm.s32 @p2 $0x1  }
0x17: {  	s4 =	simm.s32 $0x1BF5;
	[smem:$0x3FB9] =	sst s0  }
0x18: {  	s0 =	sld [smem:$0x3F9C];
	_ =	swait.ge [sflag:s4], $0x0  }
0x19: {  	s7 =	sld [smem:$0x3F9D]  }
0x1a: {  	s8 =	sadd.s32 $0xFFFFE003, lr  }
0x1b: {  	s9 =	sadd.s32 $0xFFFFFEF7, lr;
	s5 =	simm.s32 $0xFFFFFFFF;
	p2 =	slt.u32 s8, $0xFFFFF086  }
0x1c: {  	p1 =	slt.u32 s9, $0xF7A;
	s5 =	simm.s32 @!p2 $0x0  }
0x1d: {  	s5 =	simm.s32 @p1 $0x1;
	p0 =	seq.s32 s7, s2  }
0x1e: {  	s7 =	smul.u32 @!p0 $0xF7A, s2;
	p2 =	seq.s32 @!p0 s5, $0x0  }
0x1f: {  	s9 =	smul.u32 $0xF7A, s1;
	s8 =	simm.s32 @!p0 $0x1BF5;
	p2 =	por !p2, p0  }
0x20: {  	[sflag:s8] =	ssyncset.s32 @!p0 $0xFFFFF086;
	s6 =	sadd.s32 @!p0 s3, s7;
	s7 =	simm.s32 @!p0 $0x108  }
0x21: {  	s3 =	sadd.s32 s3, s9;
	s6 =	sadd.s32 @!p0 $0x88, s6;
	s7 =	simm.s32 @p2 $0x1082  }
0x22: {  	[simem:s7], [sflag:s8] =	dma.local @!p0 [hbm:s6], $0xF7A  }
0x23: {  	s9 =	sor.u32 $0xD0000000, s2;
	s6 =	simm.s32 $0x108;
	_ =	swait.ge @!p0 [sflag:s8], $0x0  }
0x24: {  	s3 =	sadd.s32 $0x88, s3;
	s6 =	simm.s32 @!p1 $0x1082;
	[sflag:s4] =	ssyncset.s32 $0xFFFFF086  }
0x25: {  	[simem:s6], [sflag:s4] =	dma.local [hbm:s3], $0xF7A  }
0x26: {  	[smem:$0x3F9D] =	sst s1;
	(tag) =	ssettag s2;
	_ =	strace s9  }
0x27: {  	s1 =	sld [smem:$0x3FAD]  }
0x28: {  	s2 =	sld [smem:$0x3FAE]  }
0x29: {  	s4 =	sld [smem:$0x3FB0]  }
0x2a: {  	p0 =	seq.s32 s5, $0x0;
	s5 =	sld [smem:$0x3FB1]  }
0x2b: {  	s6 =	sld [smem:$0x3FB2]  }
0x2c: {  	s7 =	sld [smem:$0x3FB3]  }
0x2d: {  	s3 =	simm.s32 $0x108;
	s8 =	sld [smem:$0x3FB4]  }
0x2e: {  	s3 =	simm.s32 @!p0 $0x1082;
	s9 =	sld [smem:$0x3FB5]  }
0x2f: {  	lr =	sadd.s32 s0, s3;
	s0 =	sld [smem:$0x3FAC]  }
0x30: {  	s3 =	sld [smem:$0x3FAF]  }
0x31: {  	[smem:$0x3FB8] =	sst s10  }
0x32: {  	s10 =	sld [smem:$0x3FB6];
	_ =	sdelay $0x3  }
0x33: {  	p0 =	seq.s32 s10, $0x1;
	s10 =	sld [smem:$0x3FB8];
	_ =	sdelay $0x3  }
0x34: {  	[smem:$0x3FB8] =	sst s10  }
0x35: {  	s10 =	sld [smem:$0x3FB7];
	_ =	sdelay $0x3  }
0x36: {  	p1 =	seq.s32 s10, $0x1;
	s10 =	sld [smem:$0x3FB8];
	_ =	sdelay $0x3  }
0x37: {  	[smem:$0x3FB8] =	sst s10  }
0x38: {  	s10 =	sld [smem:$0x3FB9]  }
0x39: {  	_ = 	snop;
	(pc) =	sbr.ind lr, $3  }
0x3a: {  	_ = 	snop  }
0x3b: {  	_ = 	snop  }
0x3c: {  	p2 =	seq.s32 s10, $0x1;
	s10 =	sld [smem:$0x3FB8]  }
0x3d: {  	_ =	shalt  }
0x3e: {  	_ =	shalt  }
0x3f: {  	_ =	shalt  }
0x40: {  	_ =	shalt  }
0x41: {  	_ =	shalt  }
0x42: {  	_ =	shalt  }
0x43: {  	_ =	shalt  }
0x44: {  	_ =	shalt  }
0x45: {  	_ =	shalt  }
0x46: {  	_ =	shalt  }
0x47: {  	_ =	shalt  }
0x48: {  	_ =	shalt  }
0x49: {  	_ =	shalt  }
0x4a: {  	_ =	shalt  }
0x4b: {  	_ =	shalt  }
0x4c: {  	_ =	shalt  }
0x4d: {  	_ =	shalt  }
0x4e: {  	_ =	shalt  }
0x4f: {  	_ =	shalt  }
0x50: {  	_ =	shalt  }
0x51: {  	_ =	shalt  }
0x52: {  	_ =	shalt  }
0x53: {  	_ =	shalt  }
0x54: {  	_ =	shalt  }
0x55: {  	_ =	shalt  }
0x56: {  	_ =	shalt  }
0x57: {  	_ =	shalt  }
0x58: {  	_ =	shalt  }
0x59: {  	_ =	shalt  }
0x5a: {  	_ =	shalt  }
0x5b: {  	_ =	shalt  }
0x5c: {  	_ =	shalt  }
0x5d: {  	_ =	shalt  }
0x5e: {  	_ =	shalt  }
0x5f: {  	_ =	shalt  }
0x60: {  	_ =	shalt  }
0x61: {  	_ =	shalt  }
0x62: {  	_ =	shalt  }
0x63: {  	_ =	shalt  }
0x64: {  	_ =	shalt  }
0x65: {  	_ =	shalt  }
0x66: {  	_ =	shalt  }
0x67: {  	_ =	shalt  }
0x68: {  	_ =	shalt  }
0x69: {  	_ =	shalt  }
0x6a: {  	_ =	shalt  }
0x6b: {  	_ =	shalt  }
0x6c: {  	_ =	shalt  }
0x6d: {  	_ =	shalt  }
0x6e: {  	_ =	shalt  }
0x6f: {  	_ =	shalt  }
0x70: {  	_ =	shalt  }
0x71: {  	_ =	shalt  }
0x72: {  	_ =	shalt  }
0x73: {  	_ =	shalt  }
0x74: {  	_ =	shalt  }
0x75: {  	_ =	shalt  }
0x76: {  	_ =	shalt  }
0x77: {  	_ =	shalt  }
0x78: {  	_ =	shalt  }
0x79: {  	_ =	shalt  }
0x7a: {  	_ =	shalt  }
0x7b: {  	_ =	shalt  }
0x7c: {  	_ =	shalt  }
0x7d: {  	_ =	shalt  }
0x7e: {  	_ =	shalt  }
0x7f: {  	_ =	shalt  }
0x80: {  	_ =	shalt  }
0x81: {  	_ =	shalt  }
0x82: {  	_ =	shalt  }
0x83: {  	_ =	shalt  }
0x84: {  	_ =	shalt  }
0x85: {  	_ =	shalt  }
0x86: {  	_ =	shalt  }
0x87: {  	_ =	shalt  }
.Lfunc_end0:
.L_simem_size_0:
called_computation_lowered:
.L_overlay_start_0:
0x88: {  	s2 =	sld [smem:$0x3FD9]  }
0x89: {  	s3 =	sld [smem:$0x3FFE];
	_ =	sdelay $0x1  }
0x8a: {  	s1 =	srdreg.scid  }
0x8b: {  	s0 =	sand.u32 $0x1, s1  }
0x8c: {  	s17 =	sshll.u32 s0, $0xA;
	s2 =	sadd.s32 s3, s2  }
0x8d: {  	s2 =	sadd.s32 s2, s17  }
0x8e: {  	[smem:$0x3FC4] =	sst s2  }
0x8f: {  	_ = 	snop  }
0x90: {  	s2 =	sld [smem:$0x3FD0];
	(tm) =	ssettm $0x1  }
0x91: {  	s18 =	sld [smem:$0x3FFB];
	_ =	sdelay $0x3  }
0x92: {  	_ =	strace s18  }
0x93: {  	s3 =	sld [smem:$0x3FFC];
	_ =	sdelay $0x3  }
0x94: {  	_ =	strace s3  }
0x95: {  	s3 =	sld [smem:$0x3FFD];
	_ =	sdelay $0x3  }
0x96: {  	_ =	strace s3  }
0x97: {  	_ =	strace $0x8FFFFFFF  }
0x98: {  	s19 =	sld [smem:$0x3FDB];
	_ =	sdelay $0x1  }
0x99: {  	s4 =	simm.s32 $_scs_section_size  }
0x9a: {  	s5 =	simm.s32 $_size__tile_overlayer_lowered;
	s6 =	simm.s32 $_tile_overlayer_lowered  }
0x9b: {  	s22 =	simm.s32 $0x1BFF;
	s21 =	sshll.u32 s6, $0x1;
	s3 =	sadd.s32 s4, s19  }
0x9c: {  	s7 =	simm.s32 $0x0;
	s20 =	sshll.u32 s5, $0x1;
	s5 =	sadd.s32 s21, s3  }
0x9d: {  	[timem:s7], [sflag:s22] =	dma.local [hbm:s5], s20  }
0x9e: {  	_ =	swait.ge [sflag:s22], s20  }
0x9f: {  	s4 =	ssub.s32 $0x0, s20;
	[sflag:s22] =	ssyncset.done $0x0  }
0xa0: {  	[sflag:s22] =	ssyncadd.s32 s4;
	_ =	sdelay $0x1  }
0xa1: {  	s23 =	simm.s32 $0x1B8B  }
0xa2: {  	_ =	swait.ge [sflag:s23], $0x1  }
0xa3: {  	[sflag:s23] =	ssyncset.done $0x0  }
0xa4: {  	s25 =	simm.s32 $0x1B8E;
	s24 =	sld [smem:$0x3FFE];
	[sflag:s23] =	ssyncadd.s32 $0xFFFFFFFF  }
0xa5: {  	s26 =	simm.s32 $execute0_lowered;
	[smem:$0x3FD2] =	sst s25  }
0xa6: {  	s5 =	sshll.u32 s26, $0x1;
	_ =	strace $0x80000046;
	[dreg:$0x1] =	wrdreg $0xFFFFFFFF  }
0xa7: {  	s28 =	simm.s32 $_size_execute0_lowered;
	s3 =	sadd.s32 s3, s5;
	[dreg:$0x0] =	wrdreg $0x0  }
0xa8: {  	s5 =	sshll.u32 s28, $0x1;
	[dreg:$0x2] =	wrdreg s3  }
0xa9: {  	[dreg:$0x3] =	wrdreg s5  }
0xaa: {  	[dreg:$0x4] =	wrdreg $0xC0  }
0xab: {  	_ =	task [dreg:s7], $0x5FFFF  }
0xac: {  	[dreg:$0x1] =	wrdreg $0xFFFFFFFF  }
0xad: {  	[dreg:$0x0] =	wrdreg $0x60  }
0xae: {  	[dreg:$0x2] =	wrdreg s2  }
0xaf: {  	[dreg:$0x3] =	wrdreg s24  }
0xb0: {  	[dreg:$0x4] =	wrdreg $0x90000  }
0xb1: {  	[dreg:$0x5] =	wrdreg $0x9  }
0xb2: {  	_ =	task.clear_ibuf [dreg:s7], $0x6FFFF;
	_ =	strace $0x90000046  }
0xb3: {  	s29 =	simm.s32 $0x9;
	_ =	strace $0x80000048  }
0xb4: {  	_ =	swait.ge [sflag:s29], $0x1  }
0xb5: {  	[sflag:s29] =	ssyncadd.s32 $0xFFFFFFFF  }
0xb6: {  	_ =	strace $0x90000048  }
0xb7: {  	_ =	sfence  }
0xb8: {  	s30 =	sld [smem:$0x0];
	_ =	sdelay $0x2  }
0xb9: {  	s31 =	sshll.u32 s1, $0xD;
	s1 =	sshrl.u32 s1, $0x2  }
0xba: {  	s3 =	sand.u32 $0x4000, s31;
	s1 =	sadd.s32 s1, s30  }
0xbb: {  	s0 =	sor.u32 s3, s0;
	s1 =	sshll.u32 s1, $0x11  }
0xbc: {  	s0 =	sor.u32 s1, s0  }
0xbd: {  	s0 =	sadd.s32 $0x8F2B, s0  }
0xbe: {  	[sflag:s0] =	ssyncadd.remote.s32 $0x1  }
0xbf: {  	_ =	sfence.sel $0xFFFF  }
0xc0: {  	[dreg:$0x0] =	wrdreg $0xFFFFFFFF;
	(pc) =	sbr.abs _section_cstart, $3  }
0xc1: {  	[dreg:$0x1] =	wrdreg $0xFFFFFFFF  }
0xc2: {  	_ =	task.clear_ibuf [dreg:s7], $0x2FFFF;
	_ =	strace $0x9FFFFFFF  }
0xc3: {  	(tm) =	ssettm $0x7FFFFFFF  }
tec
execute0_lowered:
.L_overlay_start_1:
0x0: {  	(tag) =	ssettag $0x1  }
0x1: {  	s1 =	rddreg [dreg:$0x0]  }
0x2: {  	s7 =	rddreg [dreg:$0x1];
	s2 =	srdreg.scid  }
0x3: {  	s0 =	stileid.u32;
	s3 =	rddreg [dreg:$0x2]  }
0x4: {  	s4 =	simm.s32 $0x0;
	s17 =	simm.s32 $0x80;
	s5 =	smul.u32 $0x2800, s0  }
0x5: {  	s18 =	simm.s32 $0x5000;
	s19 =	simm.s32 $0x1;
	s9 =	smul.u32 $0x14000, s0  }
0x6: {  	s8 =	sand.u32 $0x1, s2;
	s2 =	rddreg [dreg:$0x3];
	s14 =	smul.u32 $0x50000, s0  }
0x7: {  	s20 =	simm.s32 $0x0;
	[smem:$0x7FF] =	sst s4;
	s6 =	smul.u32 $0x28000, s8  }
0x8: {  	s31 =	sshll.u32 s0, $0x6;
	s10 =	smul.u32 $0x140000, s8;
	s25 =	ssub.s32 $0x2, s8  }
0x9: {  	_ =	strace $0x80000047;
	s28 =	smul.u32 $0x5000, s8;
	s13 =	sshrl.u32 s25, $0x1  }
0xa: {  	s29 =	sshrl.u32 s14, $0x2;
	s14 =	simm.s32 $0x2800;
	s6 =	sadd.s32 s5, s6  }
0xb: {  	s5 =	sshrl.u32 s5, $0x3;
	s9 =	sadd.s32 s9, s10;
	s26 =	ssub.s32 s25, s13  }
0xc: {  	s16 =	sadd.s32 s29, s3;
	s30 =	sshrl.u32 s28, $0x2;
	s13 =	simm.s32 $0x2  }
0xd: {  	s6 =	sshrl.u32 s6, $0x3;
	s12 =	sadd.s32 s5, s7;
	s5 =	sadd.s32 $0xFA00, s7  }
0xe: {  	s9 =	sshrl.u32 s9, $0x3;
	s16 =	sshrl.u32 s16, $0x3;
	s11 =	sadd.s32 s6, s7  }
0xf: {  	s6 =	sadd.s32 $0xF200, s7;
	s15 =	sadd.s32 s9, s7;
	s8 =	sadd.s32 $0x200, s12  }
0x10: {  	s9 =	smax.u32 s26, $0x1;
	s12 =	sadd.s32 $0x2800, s30;
	s7 =	sadd.s32 $0x5200, s11  }
0x11: {  	s10 =	sadd.s32 $0x12200, s15;
	s11 =	sadd.s32 $0x62200, s15;
	s15 =	sor.u32 $0x1C02, s31  }
.LBB2_1:
0x12: {  	[tilespmem:s4], [sflag:$0x2] =	stream.linear.gather [hbm4b:s7+s4], $0x2800, $0x38;
	[tilespmem:$0x1D040] =	vst v63  }
0x13: {  	_ =	swait.ge [sflag:s13], $0x2800  }
0x14: {  	[sflag:s13] =	ssyncset.done $0x0  }
0x15: {  	[sflag:s13] =	ssyncadd.s32 $0xFFFFD800  }
0x16: {  	[tilespmem:s14], [sflag:$0x2] =	stream.linear.gather [hbm4b:s8+s4], $0x2800, $0x38;
	[tilespmem:$0x1D040] =	vst v63  }
0x17: {  	_ =	swait.ge [sflag:s13], $0x2800  }
0x18: {  	[sflag:s13] =	ssyncset.done $0x0  }
0x19: {  	[sflag:s13] =	ssyncadd.s32 $0xFFFFD800  }
0x1a: {  	[spmem:s16], [sflag:s15] =	dma.local [hbm:s5], $0x2800  }
0x1b: {  	_ =	swait.ge [sflag:s13], $0x2800  }
0x1c: {  	[sflag:s13] =	ssyncset.done $0x0  }
0x1d: {  	[sflag:s13] =	ssyncadd.s32 $0xFFFFD800  }
0x1e: {  	s21 =	simm.s32 $0x0;
	[bflag:$0x0] =	sbarrier.arrive $0xFFFF  }
0x1f: {  	[tilespmem:s18], [sflag:$0x1] =	stream.indirect.gather [hbm4b:s1+s17], $0x80, s21, s17, $0xb8;
	[tilespmem:$0x1D040] =	vst v63  }
0x20: {  	_ =	swait.ge [sflag:s19], $0x4000  }
0x21: {  	[sflag:s19] =	ssyncset.done $0x0  }
0x22: {  	s31 =	simm.s32 $0x2800;
	[sflag:s19] =	ssyncadd.s32 $0xFFFFC000  }
0x23: {  	[spmem:s3] =	stream.indirect.scatter.add.f32 [tilespmem:s18], [sflag:$0x2], $0x80, s31, s17, $0xb8;
	[tilespmem:$0x1D040] =	vst v63  }
0x24: {  	_ =	swait.ge [sflag:s13], $0x4000  }
0x25: {  	s22 =	simm.s32 $0x400;
	s21 =	simm.s32 $0x200;
	[sflag:s13] =	ssyncset.done $0x0  }
.LBB2_2:
0x26: {  	s23 =	sshra.s32 s21, $0x2  }
0x27: {  	[sflag:s13] =	ssyncadd.s32 $0xFFFFC000;
	s21 =	smov.u32 s22;
	s24 =	sadd.s32 $0x200, s22  }
0x28: {  	[tilespmem:s18], [sflag:$0x1] =	stream.indirect.gather [hbm4b:s1+s17], $0x80, s23, s17, $0xb8;
	[tilespmem:$0x1D040] =	vst v63  }
0x29: {  	p0 =	sne.s32 s22, $0x9E00;
	_ =	swait.ge [sflag:s19], $0x4000  }
.Ltmp0:
0x2a: {  	[sflag:s19] =	ssyncset.done $0x0;
	(pc) =	sbr.rel @p0 .LBB2_2-.Ltmp0, $4  }
0x2b: {  	s22 =	sadd.s32 $0x2800, s23;
	[sflag:s19] =	ssyncadd.s32 $0xFFFFC000  }
0x2c: {  	[spmem:s3] =	stream.indirect.scatter.add.f32 [tilespmem:s18], [sflag:$0x2], $0x80, s22, s17, $0xb8;
	[tilespmem:$0x1D040] =	vst v63  }
0x2d: {  	_ =	swait.ge [sflag:s13], $0x4000  }
0x2e: {  	s22 =	smov.u32 s24;
	[sflag:s13] =	ssyncset.done $0x0  }
0x2f: {  	s21 =	sshra.s32 s21, $0x2;
	[sflag:s13] =	ssyncadd.s32 $0xFFFFC000  }
0x30: {  	[tilespmem:s18], [sflag:$0x1] =	stream.indirect.gather [hbm4b:s1+s17], $0x80, s21, s17, $0xb8;
	[tilespmem:$0x1D040] =	vst v63  }
0x31: {  	_ =	swait.ge [sflag:s19], $0x4000  }
0x32: {  	[sflag:s19] =	ssyncset.done $0x0  }
0x33: {  	s21 =	sadd.s32 $0x2800, s21;
	[sflag:s19] =	ssyncadd.s32 $0xFFFFC000  }
0x34: {  	[spmem:s3] =	stream.indirect.scatter.add.f32 [tilespmem:s18], [sflag:$0x2], $0x80, s21, s17, $0xb8;
	[tilespmem:$0x1D040] =	vst v63  }
0x35: {  	_ =	swait.ge [sflag:s13], $0x4000  }
0x36: {  	[sflag:s13] =	ssyncset.done $0x0  }
0x37: {  	[sflag:s13] =	ssyncadd.s32 $0xFFFFC000  }
0x38: {  	[bflag:$0x0] =	sbarrier.arrive $0xFFFF  }
0x39: {  	[hbm:s10], [sflag:s15] =	dma.local [spmem:s16], $0x2800  }
0x3a: {  	_ =	swait.ge [sflag:s13], $0x2800  }
0x3b: {  	[sflag:s13] =	ssyncset.done $0x0  }
0x3c: {  	[sflag:s13] =	ssyncadd.s32 $0xFFFFD800  }
0x3d: {  	s30 =	simm.s32 $0x0;
	[bflag:$0x0] =	sbarrier.arrive $0xFFFF  }
0x3e: {  	[tilespmem:s14], [sflag:$0x2] =	stream.linear.gather [hbm4b:s8+s30], $0x2800, $0x38;
	[tilespmem:$0x1D040] =	vst v63  }
0x3f: {  	_ =	swait.ge [sflag:s13], $0x2800  }
0x40: {  	[sflag:s13] =	ssyncset.done $0x0  }
0x41: {  	[sflag:s13] =	ssyncadd.s32 $0xFFFFD800  }
0x42: {  	[spmem:s16], [sflag:s15] =	dma.local [hbm:s5], $0x2800  }
0x43: {  	_ =	swait.ge [sflag:s13], $0x2800  }
0x44: {  	[sflag:s13] =	ssyncset.done $0x0  }
0x45: {  	[sflag:s13] =	ssyncadd.s32 $0xFFFFD800  }
0x46: {  	[tilespmem:s18], [sflag:$0x2] =	stream.linear.gather [hbm4b:s6+s30], $0x4000, $0x38;
	[tilespmem:$0x1D040] =	vst v63  }
0x47: {  	_ =	swait.ge [sflag:s13], $0x4000  }
0x48: {  	[sflag:s13] =	ssyncset.done $0x0  }
0x49: {  	[sflag:s13] =	ssyncadd.s32 $0xFFFFC000  }
0x4a: {  	s31 =	sadd.s32 $0x0, s12;
	[bflag:$0x0] =	sbarrier.arrive $0xFFFF  }
0x4b: {  	[spmem:s3] =	stream.indirect.scatter.add.f32 [tilespmem:s18], [sflag:$0x2], $0x80, s31, s17, $0xb8;
	[tilespmem:$0x1D040] =	vst v63  }
0x4c: {  	s21 =	simm.s32 $0x200;
	_ =	swait.ge [sflag:s13], $0x4000  }
.LBB2_4:
0x4d: {  	s22 =	sshra.s32 s21, $0x2;
	[sflag:s13] =	ssyncset.done $0x0;
	p0 =	sne.s32 s21, $0x4E00  }
.Ltmp1:
0x4e: {  	s22 =	sadd.s32 s22, s12;
	[sflag:s13] =	ssyncadd.s32 $0xFFFFC000;
	(pc) =	sbr.rel @p0 .LBB2_4-.Ltmp1, $3  }
0x4f: {  	[spmem:s3] =	stream.indirect.scatter.add.f32 [tilespmem:s18], [sflag:$0x2], $0x80, s22, s17, $0xb8;
	[tilespmem:$0x1D040] =	vst v63  }
0x50: {  	s21 =	sadd.s32 $0x200, s21;
	_ =	sdelay $0x1  }
0x51: {  	_ =	swait.ge [sflag:s13], $0x4000  }
0x52: {  	[sflag:s13] =	ssyncset.done $0x0  }
0x53: {  	s20 =	sadd.s32 $0x1, s20;
	[sflag:s13] =	ssyncadd.s32 $0xFFFFC000  }
0x54: {  	p0 =	sne.s32 s20, s9;
	[bflag:$0x0] =	sbarrier.arrive $0xFFFF  }
0x55: {  	[hbm:s11], [sflag:s15] =	dma.local [spmem:s16], $0x2800  }
.Ltmp2:
0x56: {  	_ =	swait.ge [sflag:s13], $0x2800;
	(pc) =	sbr.rel @p0 .LBB2_1-.Ltmp2, $3  }
0x57: {  	[sflag:s13] =	ssyncset.done $0x0  }
0x58: {  	[sflag:s13] =	ssyncadd.s32 $0xFFFFD800  }
0x59: {  	[bflag:$0x0] =	sbarrier.arrive $0xFFFF;
	_ =	sdelay $0x1  }
0x5a: {  	_ =	sfence.sel $0x180000  }
0x5b: {  	[bflag:$0x0] =	sbarrier.arrive $0xFFFF  }
0x5c: {  	p0 =	sne.s32 s0, $0x0;
	_ =	strace $0x90000047  }
0x5d: {  	s0 =	sadd.s32 @!p0 $0x100000, s2;
	[bflag:$0x2] =	sbarrier.arrive $0xFFFF  }
0x5e: {  	[sflag:s0] =	ssyncadd.tile.s32 @!p0 $0x1;
	_ =	shalt  }
.Lfunc_end2:
_tile_overlayer_lowered:
.L_overlay_start_2:
0x5f: {  	(tag) =	ssettag $0x2  }
0x60: {  	s0 =	rddreg [dreg:$0x0];
	s2 =	stileid.u32  }
0x61: {  	s1 =	rddreg [dreg:$0x1];
	p0 =	sne.s32 s2, $0x0  }
0x62: {  	s3 =	rddreg [dreg:$0x2];
	[bflag:$0x3] =	sbarrier.arrive $0xFFFF;
	s2 =	simm.s32 @!p0 $0x1C02  }
0x63: {  	[timem:s3], [sflag:s2] =	dma.local @!p0 [hbm:s0], s1  }
0x64: {  	s0 =	simm.s32 @!p0 $0x2  }
0x65: {  	_ =	swait.ge @!p0 [sflag:s0], s1  }
0x66: {  	s1 =	ssub.s32 @!p0 $0x0, s1;
	[sflag:s0] =	ssyncset.done @!p0 $0x0  }
0x67: {  	[sflag:s0] =	ssyncadd.s32 @!p0 s1  }
0x68: {  	[bflag:$0x3] =	sbarrier.arrive $0xFFFF  }
0x69: {  	_ =	shalt  }

</sc_bundles>
